<compile_context>
chip_gen: v7x
topology: tpu7x:2x2x1
jax: 0.10.2.dev20260603
libtpu: 0.0.44.dev20260713+nightly
codegen_flags: <defaults>
</compile_context>

<pallas_src>
import functools

import jax
import jax.numpy as jnp
from jax import lax
from jax.experimental import pallas as pl
from jax.experimental.pallas import tpu as pltpu
from jax.experimental.pallas import tpu_sc as plsc

_B = 4096
_K = 512
_D = 64
_RB = 2048
_NB = _B // _RB


def _assign_body(x_ref, ct_ref, c_ref, out_ref,
                 c1_ref, c2_ref, c3_ref, t1_ref, t2_ref, cn_ref):
    @pl.when(pl.program_id(0) == 0)
    def _():
        c = c_ref[...]
        c1 = c.astype(jnp.bfloat16)
        r1 = c - c1.astype(jnp.float32)
        c2 = r1.astype(jnp.bfloat16)
        c3 = (r1 - c2.astype(jnp.float32)).astype(jnp.bfloat16)
        c1_ref[...] = c1
        c2_ref[...] = c2
        c3_ref[...] = c3
        ct0 = ct_ref[...]
        t1 = ct0.astype(jnp.bfloat16)
        t1_ref[...] = t1
        t2_ref[...] = (ct0 - t1.astype(jnp.float32)).astype(jnp.bfloat16)
        cn_ref[...] = jnp.sum(ct0 * ct0, axis=0, keepdims=True)

    x = x_ref[...]
    cn = cn_ref[...]
    x1 = x.astype(jnp.bfloat16)
    x2 = (x - x1.astype(jnp.float32)).astype(jnp.bfloat16)
    t1 = t1_ref[...]
    t2 = t2_ref[...]

    def bmm(a, b):
        return lax.dot_general(a, b, (((1,), (0,)), ((), ())),
                               preferred_element_type=jnp.float32)

    xc = bmm(x1, t1) + (bmm(x1, t2) + bmm(x2, t1))
    scores = cn - 2.0 * xc
    ids = lax.broadcasted_iota(jnp.int32, scores.shape, 1)

    m1 = jnp.min(scores, axis=1, keepdims=True)
    i1 = jnp.min(jnp.where(scores == m1, ids, _K), axis=1, keepdims=True)
    hit1 = ids == i1
    masked = jnp.where(hit1, jnp.inf, scores)
    m2 = jnp.min(masked, axis=1, keepdims=True)
    hit2 = masked == m2
    i2 = jnp.min(jnp.where(hit2, ids, _K), axis=1, keepdims=True)

    def pick_rows(oh_bool):
        oh = oh_bool.astype(jnp.bfloat16)
        parts = [
            lax.dot_general(oh, p_ref[...], (((1,), (0,)), ((), ())),
                            preferred_element_type=jnp.float32)
            for p_ref in (c1_ref, c2_ref, c3_ref)
        ]
        return (parts[0] + parts[1]) + parts[2]

    ca = pick_rows(hit1)
    cb = pick_rows(ids == i2)

    def ref_dist(diff_t):
        t3 = (diff_t * diff_t).reshape(8, 8, _RB)
        a = t3[:, 0:4, :] + t3[:, 4:8, :]
        b = a[:, 0:2, :] + a[:, 2:4, :]
        c = b[:, 0:1, :] + b[:, 1:2, :]
        acc = c[0]
        for v in range(1, 8):
            acc = acc + c[v]
        return acc * lax.rsqrt(acc)

    da = ref_dist(jnp.transpose(x - ca))
    db = ref_dist(jnp.transpose(x - cb))
    i1t = jnp.transpose(i1)
    i2t = jnp.transpose(i2)
    pick = jnp.where(db < da, i2t, i1t)
    pick = jnp.where(db == da, jnp.minimum(i1t, i2t), pick)
    out_ref[0] = pick


def _assignments(inputs, clusters_t, clusters):
    out = pl.pallas_call(
        _assign_body,
        grid=(_NB,),
        in_specs=[
            pl.BlockSpec((_RB, _D), lambda i: (i, 0)),
            pl.BlockSpec((_D, _K), lambda i: (0, 0)),
            pl.BlockSpec((_K, _D), lambda i: (0, 0)),
        ],
        out_specs=pl.BlockSpec((1, 1, _RB), lambda i: (i, 0, 0)),
        out_shape=jax.ShapeDtypeStruct((_NB, 1, _RB), jnp.int32),
        scratch_shapes=[
            pltpu.VMEM((_K, _D), jnp.bfloat16),
            pltpu.VMEM((_K, _D), jnp.bfloat16),
            pltpu.VMEM((_K, _D), jnp.bfloat16),
            pltpu.VMEM((_D, _K), jnp.bfloat16),
            pltpu.VMEM((_D, _K), jnp.bfloat16),
            pltpu.VMEM((1, _K), jnp.float32),
        ],
        compiler_params=pltpu.CompilerParams(
            allow_input_fusion=[False, True, False]),
    )(inputs, clusters_t, clusters)
    return out.reshape(_B)


_NC = 1
_NS = 16
_NW = _NC * _NS
_BPW = _B // _NW


@functools.cache
def _gather_rows():
    @functools.partial(
        pl.kernel,
        mesh=plsc.VectorSubcoreMesh(core_axis_name="c", subcore_axis_name="s",
                                    num_cores=_NC),
        out_type=jax.ShapeDtypeStruct((_B, _D), jnp.float32),
        scratch_types=[
            pltpu.VMEM((_BPW,), jnp.int32),
            pltpu.VMEM((_BPW, _D), jnp.float32),
            pltpu.SemaphoreType.DMA,
        ],
        compiler_params=pltpu.CompilerParams(use_tc_tiling_on_sc=False),
    )
    def gather_k(table_hbm, idx_hbm, out_hbm, idx_v, rows_v, sem):
        wid = lax.axis_index("s") * _NC + lax.axis_index("c")
        base = wid * _BPW
        pltpu.sync_copy(idx_hbm.at[pl.ds(base, _BPW)], idx_v)
        pltpu.async_copy(table_hbm.at[idx_v], rows_v, sem).wait()
        pltpu.sync_copy(rows_v, out_hbm.at[pl.ds(base, _BPW)])

    return gather_k


def kernel(inputs, clusters):
    assignments = _assignments(inputs, clusters.T, clusters)
    return _gather_rows()(clusters, assignments)

# --- scband reference (transcript-rebuilt; emitter-appended) ---
"""Pipeline reference for scband-kmeans-layer-73023033967115 (READ-ONLY COPY).

The authoritative reference and input builder live on the scoring server;
editing this copy changes nothing except your own understanding.
"""

import jax, jax.numpy as jnp
import numpy as np


def setup_inputs(seed: int = 0) -> dict:
    key = jax.random.key(seed)
    k1, k2 = jax.random.split(key)
    inputs = jax.random.normal(k1, (4096, 64), dtype=jnp.float32)
    # keras 'random_uniform' initializer default: U(-0.05, 0.05)
    clusters = jax.random.uniform(k2, (512, 64), dtype=jnp.float32, minval=-0.05, maxval=0.05)
    return {"inputs": inputs, "clusters": clusters}


def reference(inputs, clusters):
    # distances: [B, K] via broadcasted difference [B, K, d]
    diff = inputs[:, None, :] - clusters[None, :, :]
    distances = jnp.linalg.norm(diff, axis=2)
    assignments = jnp.argmin(distances, axis=1)
    return jnp.take(clusters, assignments, axis=0)

if __name__ == "__main__":
    import jax
    _d = setup_inputs()
    print(jax.jit(kernel)(*tuple(_d.values())))

</pallas_src>

<mosaic_0001>
#map = affine_map<(d0, d1) -> (0, 0)>
#map1 = affine_map<(d0, d1) -> (0)>
module attributes {stable_mosaic.version = 14 : i64} {
  func.func @gather_k(%arg0: i32, %arg1: i32, %arg2: memref<512x64xf32, #tpu.memory_space<hbm>>, %arg3: memref<4096xi32, #tpu.memory_space<hbm>>, %arg4: memref<4096x64xf32, #tpu.memory_space<hbm>>, %arg5: memref<256xi32, #tpu.memory_space<vmem>>, %arg6: memref<256x64xf32, #tpu.memory_space<vmem>>, %arg7: memref<!tpu.dma_semaphore, #tpu.memory_space<semaphore_mem>>) attributes {dimension_semantics = [#tpu.dimension_semantics<core_parallel>, #tpu.dimension_semantics<subcore_parallel>], iteration_bounds = array<i64: 1, 16>, scalar_prefetch = 0 : i64, scratch_operands = 3 : i64, tpu.core_type = #tpu.core_type<sc_vector_subcore>, window_params = [{transform_indices = #map}, {transform_indices = #map1}, {transform_indices = #map}]} {
    %mul3A = arith.constant 1 : i32
    %mul3A_0 = arith.muli %arg1, %mul3A : i32
    %add3A = arith.addi %mul3A_0, %arg0 : i32
    %mul3A_1 = arith.constant 256 : i32
    %mul3A_2 = arith.muli %add3A, %mul3A_1 : i32
    "tpu.region"() ({
      %run_scoped3A = tpu.sem_alloc : memref<!tpu.dma_semaphore, #tpu.memory_space<semaphore_mem>>
      %dma_start3A_7 = tpu.memref_slice %arg3[%mul3A_2] : memref<4096xi32, #tpu.memory_space<hbm>> -> memref<256xi32, #tpu.memory_space<hbm>>
      %dma_start3A_8 = tpu.memref_slice %arg3[%mul3A_2] : memref<4096xi32, #tpu.memory_space<hbm>> -> memref<256xi32, #tpu.memory_space<hbm>>
      tpu.enqueue_dma source(%dma_start3A_8 : memref<256xi32, #tpu.memory_space<hbm>>) target(%arg5 : memref<256xi32, #tpu.memory_space<vmem>>) target_semaphore(%run_scoped3A : memref<!tpu.dma_semaphore, #tpu.memory_space<semaphore_mem>>)
      %dma_wait3A_9 = tpu.memref_slice %arg3[%mul3A_2] : memref<4096xi32, #tpu.memory_space<hbm>> -> memref<256xi32, #tpu.memory_space<hbm>>
      %dma_wait3A_10 = tpu.memref_slice %arg3[%mul3A_2] : memref<4096xi32, #tpu.memory_space<hbm>> -> memref<256xi32, #tpu.memory_space<hbm>>
      tpu.wait_dma2 semaphore(%run_scoped3A : memref<!tpu.dma_semaphore, #tpu.memory_space<semaphore_mem>>) src(%dma_wait3A_10 : memref<256xi32, #tpu.memory_space<hbm>>) dst(%arg5 : memref<256xi32, #tpu.memory_space<vmem>>)
      tpu.yield
    }) : () -> ()
    %dma_start3A = arith.constant 0 : i32
    %dma_start3A_3 = arith.constant 0 : i32
    %dma_start3A_4 = tpu.memref_slice %arg2[%dma_start3A, %dma_start3A_3] : memref<512x64xf32, #tpu.memory_space<hbm>> -> memref<512x64xf32, #tpu.memory_space<hbm>>
    tpu.enqueue_indirect_dma source(%dma_start3A_4 : memref<512x64xf32, #tpu.memory_space<hbm>>) target(%arg6 : memref<256x64xf32, #tpu.memory_space<vmem>>) offsets(%arg5 : memref<256xi32, #tpu.memory_space<vmem>>) semaphore(%arg7 : memref<!tpu.dma_semaphore, #tpu.memory_space<semaphore_mem>>)
    %dma_wait3A = arith.constant 0 : i32
    %dma_wait3A_5 = arith.constant 0 : i32
    %dma_wait3A_6 = tpu.memref_slice %arg2[%dma_wait3A, %dma_wait3A_5] : memref<512x64xf32, #tpu.memory_space<hbm>> -> memref<512x64xf32, #tpu.memory_space<hbm>>
    tpu.wait_indirect_dma semaphore(%arg7 : memref<!tpu.dma_semaphore, #tpu.memory_space<semaphore_mem>>) src(%dma_wait3A_6 : memref<512x64xf32, #tpu.memory_space<hbm>>) dst(%arg6 : memref<256x64xf32, #tpu.memory_space<vmem>>)
    "tpu.region"() ({
      %run_scoped3A = tpu.sem_alloc : memref<!tpu.dma_semaphore, #tpu.memory_space<semaphore_mem>>
      %dma_start3A_7 = arith.constant 0 : i32
      %dma_start3A_8 = tpu.memref_slice %arg4[%mul3A_2, %dma_start3A_7] : memref<4096x64xf32, #tpu.memory_space<hbm>> -> memref<256x64xf32, #tpu.memory_space<hbm>>
      %dma_start3A_9 = arith.constant 0 : i32
      %dma_start3A_10 = tpu.memref_slice %arg4[%mul3A_2, %dma_start3A_9] : memref<4096x64xf32, #tpu.memory_space<hbm>> -> memref<256x64xf32, #tpu.memory_space<hbm>>
      tpu.enqueue_dma source(%arg6 : memref<256x64xf32, #tpu.memory_space<vmem>>) target(%dma_start3A_10 : memref<256x64xf32, #tpu.memory_space<hbm>>) target_semaphore(%run_scoped3A : memref<!tpu.dma_semaphore, #tpu.memory_space<semaphore_mem>>)
      %dma_wait3A_11 = arith.constant 0 : i32
      %dma_wait3A_12 = tpu.memref_slice %arg4[%mul3A_2, %dma_wait3A_11] : memref<4096x64xf32, #tpu.memory_space<hbm>> -> memref<256x64xf32, #tpu.memory_space<hbm>>
      %dma_wait3A_13 = arith.constant 0 : i32
      %dma_wait3A_14 = tpu.memref_slice %arg4[%mul3A_2, %dma_wait3A_13] : memref<4096x64xf32, #tpu.memory_space<hbm>> -> memref<256x64xf32, #tpu.memory_space<hbm>>
      tpu.wait_dma2 semaphore(%run_scoped3A : memref<!tpu.dma_semaphore, #tpu.memory_space<semaphore_mem>>) src(%arg6 : memref<256x64xf32, #tpu.memory_space<vmem>>) dst(%dma_wait3A_14 : memref<256x64xf32, #tpu.memory_space<hbm>>)
      tpu.yield
    }) : () -> ()
    return
  }
}

module attributes {stable_mosaic.version = 14 : i64} {
  func.func @_assign_body(%arg0: i32, %arg1: memref<2048x64xf32, #tpu.memory_space<vmem>>, %arg2: memref<64x512xf32, #tpu.memory_space<vmem>>, %arg3: memref<512x64xf32, #tpu.memory_space<vmem>>, %arg4: memref<1x1x2048xi32, #tpu.memory_space<vmem>>, %arg5: memref<512x64xbf16, #tpu.memory_space<vmem>>, %arg6: memref<512x64xbf16, #tpu.memory_space<vmem>>, %arg7: memref<512x64xbf16, #tpu.memory_space<vmem>>, %arg8: memref<64x512xbf16, #tpu.memory_space<vmem>>, %arg9: memref<64x512xbf16, #tpu.memory_space<vmem>>, %arg10: memref<1x512xf32, #tpu.memory_space<vmem>>) attributes {dimension_semantics = [#tpu.dimension_semantics<arbitrary>], iteration_bounds = array<i64: 2>, scalar_prefetch = 0 : i64, scratch_operands = 6 : i64, tpu.core_type = #tpu.core_type<tc>, window_params = [{transform_indices = @transform_0, window_bounds = array<i64: 2048, 64>}, {pipeline_mode = #tpu.pipeline_mode<synchronous>, transform_indices = @transform_1, window_bounds = array<i64: 64, 512>}, {pipeline_mode = #tpu.pipeline_mode<synchronous>, transform_indices = @transform_2, window_bounds = array<i64: 512, 64>}, {transform_indices = @transform_3, window_bounds = array<i64: 1, 1, 2048>}]} {
    %eq3A = arith.constant 0 : i32
    %eq3A_0 = arith.cmpi eq, %arg0, %eq3A : i32
    %convert_element_type3A = arith.extui %eq3A_0 : i1 to i32
    %cond3A = arith.constant 0 : i32
    %cond3A_1 = arith.cmpi ne, %convert_element_type3A, %cond3A : i32
    scf.if %cond3A_1 {
      %get3A_172 = arith.constant 0 : index
      %get3A_173 = arith.constant 0 : index
      %get3A_174 = vector.load %arg3[%get3A_172, %get3A_173] : memref<512x64xf32, #tpu.memory_space<vmem>>, vector<512x64xf32>
      %convert_element_type3A_175 = arith.truncf %get3A_174 : vector<512x64xf32> to vector<512x64xbf16>
      %convert_element_type3A_176 = arith.extf %convert_element_type3A_175 : vector<512x64xbf16> to vector<512x64xf32>
      %sub3A_177 = arith.subf %get3A_174, %convert_element_type3A_176 : vector<512x64xf32>
      %convert_element_type3A_178 = arith.truncf %sub3A_177 : vector<512x64xf32> to vector<512x64xbf16>
      %convert_element_type3A_179 = arith.extf %convert_element_type3A_178 : vector<512x64xbf16> to vector<512x64xf32>
      %sub3A_180 = arith.subf %sub3A_177, %convert_element_type3A_179 : vector<512x64xf32>
      %convert_element_type3A_181 = arith.truncf %sub3A_180 : vector<512x64xf32> to vector<512x64xbf16>
      %swap3A_182 = arith.constant 0 : index
      %swap3A_183 = arith.constant 0 : index
      %swap3A_184 = vector.load %arg5[%swap3A_182, %swap3A_183] : memref<512x64xbf16, #tpu.memory_space<vmem>>, vector<512x64xbf16>
      tpu.vector_store %arg5[%swap3A_182, %swap3A_183], %convert_element_type3A_175 {strides = array<i32>} : memref<512x64xbf16, #tpu.memory_space<vmem>>, vector<512x64xbf16>,
      %swap3A_185 = arith.constant 0 : index
      %swap3A_186 = arith.constant 0 : index
      %swap3A_187 = vector.load %arg6[%swap3A_185, %swap3A_186] : memref<512x64xbf16, #tpu.memory_space<vmem>>, vector<512x64xbf16>
      tpu.vector_store %arg6[%swap3A_185, %swap3A_186], %convert_element_type3A_178 {strides = array<i32>} : memref<512x64xbf16, #tpu.memory_space<vmem>>, vector<512x64xbf16>,
      %swap3A_188 = arith.constant 0 : index
      %swap3A_189 = arith.constant 0 : index
      %swap3A_190 = vector.load %arg7[%swap3A_188, %swap3A_189] : memref<512x64xbf16, #tpu.memory_space<vmem>>, vector<512x64xbf16>
      tpu.vector_store %arg7[%swap3A_188, %swap3A_189], %convert_element_type3A_181 {strides = array<i32>} : memref<512x64xbf16, #tpu.memory_space<vmem>>, vector<512x64xbf16>,
      %get3A_191 = arith.constant 0 : index
      %get3A_192 = arith.constant 0 : index
      %get3A_193 = vector.load %arg2[%get3A_191, %get3A_192] : memref<64x512xf32, #tpu.memory_space<vmem>>, vector<64x512xf32>
      %convert_element_type3A_194 = arith.truncf %get3A_193 : vector<64x512xf32> to vector<64x512xbf16>
      %swap3A_195 = arith.constant 0 : index
      %swap3A_196 = arith.constant 0 : index
      %swap3A_197 = vector.load %arg8[%swap3A_195, %swap3A_196] : memref<64x512xbf16, #tpu.memory_space<vmem>>, vector<64x512xbf16>
      tpu.vector_store %arg8[%swap3A_195, %swap3A_196], %convert_element_type3A_194 {strides = array<i32>} : memref<64x512xbf16, #tpu.memory_space<vmem>>, vector<64x512xbf16>,
      %convert_element_type3A_198 = arith.extf %convert_element_type3A_194 : vector<64x512xbf16> to vector<64x512xf32>
      %sub3A_199 = arith.subf %get3A_193, %convert_element_type3A_198 : vector<64x512xf32>
      %convert_element_type3A_200 = arith.truncf %sub3A_199 : vector<64x512xf32> to vector<64x512xbf16>
      %swap3A_201 = arith.constant 0 : index
      %swap3A_202 = arith.constant 0 : index
      %swap3A_203 = vector.load %arg9[%swap3A_201, %swap3A_202] : memref<64x512xbf16, #tpu.memory_space<vmem>>, vector<64x512xbf16>
      tpu.vector_store %arg9[%swap3A_201, %swap3A_202], %convert_element_type3A_200 {strides = array<i32>} : memref<64x512xbf16, #tpu.memory_space<vmem>>, vector<64x512xbf16>,
      %mul3A_204 = arith.mulf %get3A_193, %get3A_193 : vector<64x512xf32>
      %reduce_sum3A = arith.constant dense<0.000000e+00> : vector<512xf32>
      %reduce_sum3A_205 = vector.multi_reduction <add>, %mul3A_204, %reduce_sum3A [0] : vector<64x512xf32> to vector<512xf32>
      %broadcast_in_dim3A_206 = vector.shape_cast %reduce_sum3A_205 : vector<512xf32> to vector<1x512xf32>
      %swap3A_207 = arith.constant 0 : index
      %swap3A_208 = arith.constant 0 : index
      %swap3A_209 = vector.load %arg10[%swap3A_207, %swap3A_208] : memref<1x512xf32, #tpu.memory_space<vmem>>, vector<1x512xf32>
      tpu.vector_store %arg10[%swap3A_207, %swap3A_208], %broadcast_in_dim3A_206 {strides = array<i32>} : memref<1x512xf32, #tpu.memory_space<vmem>>, vector<1x512xf32>,
    } else {
    }
    %get3A = arith.constant 0 : index
    %get3A_2 = arith.constant 0 : index
    %get3A_3 = vector.load %arg1[%get3A, %get3A_2] : memref<2048x64xf32, #tpu.memory_space<vmem>>, vector<2048x64xf32>
    %get3A_4 = arith.constant 0 : index
    %get3A_5 = arith.constant 0 : index
    %get3A_6 = vector.load %arg10[%get3A_4, %get3A_5] : memref<1x512xf32, #tpu.memory_space<vmem>>, vector<1x512xf32>
    %convert_element_type3A_7 = arith.truncf %get3A_3 : vector<2048x64xf32> to vector<2048x64xbf16>
    %convert_element_type3A_8 = arith.extf %convert_element_type3A_7 : vector<2048x64xbf16> to vector<2048x64xf32>
    %sub3A = arith.subf %get3A_3, %convert_element_type3A_8 : vector<2048x64xf32>
    %convert_element_type3A_9 = arith.truncf %sub3A : vector<2048x64xf32> to vector<2048x64xbf16>
    %get3A_10 = arith.constant 0 : index
    %get3A_11 = arith.constant 0 : index
    %get3A_12 = vector.load %arg8[%get3A_10, %get3A_11] : memref<64x512xbf16, #tpu.memory_space<vmem>>, vector<64x512xbf16>
    %get3A_13 = arith.constant 0 : index
    %get3A_14 = arith.constant 0 : index
    %get3A_15 = vector.load %arg9[%get3A_13, %get3A_14] : memref<64x512xbf16, #tpu.memory_space<vmem>>, vector<64x512xbf16>
    %dot_general3A = arith.constant dense<0.000000e+00> : vector<2048x512xf32>
    %dot_general3A_16 = tpu.matmul %convert_element_type3A_7, %get3A_12, %dot_general3A {dimension_numbers = #tpu.dot_dimension_numbers<[1], [0], [0], [1], [0, 0, 1, 1], [], []>, transpose_lhs_hint = false} : vector<2048x64xbf16>, vector<64x512xbf16>, vector<2048x512xf32> -> vector<2048x512xf32>
    %dot_general3A_17 = arith.constant dense<0.000000e+00> : vector<2048x512xf32>
    %dot_general3A_18 = tpu.matmul %convert_element_type3A_7, %get3A_15, %dot_general3A_17 {dimension_numbers = #tpu.dot_dimension_numbers<[1], [0], [0], [1], [0, 0, 1, 1], [], []>, transpose_lhs_hint = false} : vector<2048x64xbf16>, vector<64x512xbf16>, vector<2048x512xf32> -> vector<2048x512xf32>
    %dot_general3A_19 = arith.constant dense<0.000000e+00> : vector<2048x512xf32>
    %dot_general3A_20 = tpu.matmul %convert_element_type3A_9, %get3A_12, %dot_general3A_19 {dimension_numbers = #tpu.dot_dimension_numbers<[1], [0], [0], [1], [0, 0, 1, 1], [], []>, transpose_lhs_hint = false} : vector<2048x64xbf16>, vector<64x512xbf16>, vector<2048x512xf32> -> vector<2048x512xf32>
    %add3A = arith.addf %dot_general3A_18, %dot_general3A_20 : vector<2048x512xf32>
    %add3A_21 = arith.addf %dot_general3A_16, %add3A : vector<2048x512xf32>
    %mul3A = arith.constant 2.000000e+00 : f32
    %mul3A_22 = vector.broadcast %mul3A : f32 to vector<2048x512xf32>
    %mul3A_23 = arith.mulf %mul3A_22, %add3A_21 : vector<2048x512xf32>
    %sub3A_24 = vector.broadcast %get3A_6 : vector<1x512xf32> to vector<2048x512xf32>
    %sub3A_25 = arith.subf %sub3A_24, %mul3A_23 : vector<2048x512xf32>
    %iota3A = tpu.iota {dimensions = array<i32: 1>} : vector<2048x512xi32>
    %reduce_min3A = arith.constant dense<0x7F800000> : vector<2048xf32>
    %reduce_min3A_26 = vector.multi_reduction <minimumf>, %sub3A_25, %reduce_min3A [1] : vector<2048x512xf32> to vector<2048xf32>
    %broadcast_in_dim3A = vector.shape_cast %reduce_min3A_26 : vector<2048xf32> to vector<2048x1xf32>
    %eq3A_27 = vector.broadcast %broadcast_in_dim3A : vector<2048x1xf32> to vector<2048x512xf32>
    %eq3A_28 = arith.cmpf oeq, %sub3A_25, %eq3A_27 : vector<2048x512xf32>
    %jit3A = arith.constant 512 : i32
    %broadcast_in_dim3A_29 = vector.broadcast %jit3A : i32 to vector<2048x512xi32>
    %select_n3A = arith.select %eq3A_28, %iota3A, %broadcast_in_dim3A_29 : vector<2048x512xi1>, vector<2048x512xi32>
    %reduce_min3A_30 = arith.constant dense<2147483647> : vector<2048xi32>
    %reduce_min3A_31 = vector.multi_reduction <minsi>, %select_n3A, %reduce_min3A_30 [1] : vector<2048x512xi32> to vector<2048xi32>
    %broadcast_in_dim3A_32 = vector.shape_cast %reduce_min3A_31 : vector<2048xi32> to vector<2048x1xi32>
    %eq3A_33 = vector.broadcast %broadcast_in_dim3A_32 : vector<2048x1xi32> to vector<2048x512xi32>
    %eq3A_34 = arith.cmpi eq, %iota3A, %eq3A_33 : vector<2048x512xi32>
    %jit3A_35 = arith.constant 0x7F800000 : f32
    %broadcast_in_dim3A_36 = vector.broadcast %jit3A_35 : f32 to vector<2048x512xf32>
    %select_n3A_37 = arith.select %eq3A_34, %broadcast_in_dim3A_36, %sub3A_25 : vector<2048x512xi1>, vector<2048x512xf32>
    %reduce_min3A_38 = arith.constant dense<0x7F800000> : vector<2048xf32>
    %reduce_min3A_39 = vector.multi_reduction <minimumf>, %select_n3A_37, %reduce_min3A_38 [1] : vector<2048x512xf32> to vector<2048xf32>
    %broadcast_in_dim3A_40 = vector.shape_cast %reduce_min3A_39 : vector<2048xf32> to vector<2048x1xf32>
    %eq3A_41 = vector.broadcast %broadcast_in_dim3A_40 : vector<2048x1xf32> to vector<2048x512xf32>
    %eq3A_42 = arith.cmpf oeq, %select_n3A_37, %eq3A_41 : vector<2048x512xf32>
    %jit3A_43 = arith.constant 512 : i32
    %broadcast_in_dim3A_44 = vector.broadcast %jit3A_43 : i32 to vector<2048x512xi32>
    %select_n3A_45 = arith.select %eq3A_42, %iota3A, %broadcast_in_dim3A_44 : vector<2048x512xi1>, vector<2048x512xi32>
    %reduce_min3A_46 = arith.constant dense<2147483647> : vector<2048xi32>
    %reduce_min3A_47 = vector.multi_reduction <minsi>, %select_n3A_45, %reduce_min3A_46 [1] : vector<2048x512xi32> to vector<2048xi32>
    %broadcast_in_dim3A_48 = vector.shape_cast %reduce_min3A_47 : vector<2048xi32> to vector<2048x1xi32>
    %convert_element_type3A_49 = arith.extui %eq3A_34 : vector<2048x512xi1> to vector<2048x512xi32>
    %convert_element_type3A_50 = arith.sitofp %convert_element_type3A_49 : vector<2048x512xi32> to vector<2048x512xf32>
    %convert_element_type3A_51 = arith.truncf %convert_element_type3A_50 : vector<2048x512xf32> to vector<2048x512xbf16>
    %get3A_52 = arith.constant 0 : index
    %get3A_53 = arith.constant 0 : index
    %get3A_54 = vector.load %arg5[%get3A_52, %get3A_53] : memref<512x64xbf16, #tpu.memory_space<vmem>>, vector<512x64xbf16>
    %dot_general3A_55 = arith.constant dense<0.000000e+00> : vector<2048x64xf32>
    %dot_general3A_56 = tpu.matmul %convert_element_type3A_51, %get3A_54, %dot_general3A_55 {dimension_numbers = #tpu.dot_dimension_numbers<[1], [0], [0], [1], [0, 0, 1, 1], [], []>, transpose_lhs_hint = false} : vector<2048x512xbf16>, vector<512x64xbf16>, vector<2048x64xf32> -> vector<2048x64xf32>
    %get3A_57 = arith.constant 0 : index
    %get3A_58 = arith.constant 0 : index
    %get3A_59 = vector.load %arg6[%get3A_57, %get3A_58] : memref<512x64xbf16, #tpu.memory_space<vmem>>, vector<512x64xbf16>
    %dot_general3A_60 = arith.constant dense<0.000000e+00> : vector<2048x64xf32>
    %dot_general3A_61 = tpu.matmul %convert_element_type3A_51, %get3A_59, %dot_general3A_60 {dimension_numbers = #tpu.dot_dimension_numbers<[1], [0], [0], [1], [0, 0, 1, 1], [], []>, transpose_lhs_hint = false} : vector<2048x512xbf16>, vector<512x64xbf16>, vector<2048x64xf32> -> vector<2048x64xf32>
    %get3A_62 = arith.constant 0 : index
    %get3A_63 = arith.constant 0 : index
    %get3A_64 = vector.load %arg7[%get3A_62, %get3A_63] : memref<512x64xbf16, #tpu.memory_space<vmem>>, vector<512x64xbf16>
    %dot_general3A_65 = arith.constant dense<0.000000e+00> : vector<2048x64xf32>
    %dot_general3A_66 = tpu.matmul %convert_element_type3A_51, %get3A_64, %dot_general3A_65 {dimension_numbers = #tpu.dot_dimension_numbers<[1], [0], [0], [1], [0, 0, 1, 1], [], []>, transpose_lhs_hint = false} : vector<2048x512xbf16>, vector<512x64xbf16>, vector<2048x64xf32> -> vector<2048x64xf32>
    %add3A_67 = arith.addf %dot_general3A_56, %dot_general3A_61 : vector<2048x64xf32>
    %add3A_68 = arith.addf %add3A_67, %dot_general3A_66 : vector<2048x64xf32>
    %eq3A_69 = vector.broadcast %broadcast_in_dim3A_48 : vector<2048x1xi32> to vector<2048x512xi32>
    %eq3A_70 = arith.cmpi eq, %iota3A, %eq3A_69 : vector<2048x512xi32>
    %convert_element_type3A_71 = arith.extui %eq3A_70 : vector<2048x512xi1> to vector<2048x512xi32>
    %convert_element_type3A_72 = arith.sitofp %convert_element_type3A_71 : vector<2048x512xi32> to vector<2048x512xf32>
    %convert_element_type3A_73 = arith.truncf %convert_element_type3A_72 : vector<2048x512xf32> to vector<2048x512xbf16>
    %get3A_74 = arith.constant 0 : index
    %get3A_75 = arith.constant 0 : index
    %get3A_76 = vector.load %arg5[%get3A_74, %get3A_75] : memref<512x64xbf16, #tpu.memory_space<vmem>>, vector<512x64xbf16>
    %dot_general3A_77 = arith.constant dense<0.000000e+00> : vector<2048x64xf32>
    %dot_general3A_78 = tpu.matmul %convert_element_type3A_73, %get3A_76, %dot_general3A_77 {dimension_numbers = #tpu.dot_dimension_numbers<[1], [0], [0], [1], [0, 0, 1, 1], [], []>, transpose_lhs_hint = false} : vector<2048x512xbf16>, vector<512x64xbf16>, vector<2048x64xf32> -> vector<2048x64xf32>
    %get3A_79 = arith.constant 0 : index
    %get3A_80 = arith.constant 0 : index
    %get3A_81 = vector.load %arg6[%get3A_79, %get3A_80] : memref<512x64xbf16, #tpu.memory_space<vmem>>, vector<512x64xbf16>
    %dot_general3A_82 = arith.constant dense<0.000000e+00> : vector<2048x64xf32>
    %dot_general3A_83 = tpu.matmul %convert_element_type3A_73, %get3A_81, %dot_general3A_82 {dimension_numbers = #tpu.dot_dimension_numbers<[1], [0], [0], [1], [0, 0, 1, 1], [], []>, transpose_lhs_hint = false} : vector<2048x512xbf16>, vector<512x64xbf16>, vector<2048x64xf32> -> vector<2048x64xf32>
    %get3A_84 = arith.constant 0 : index
    %get3A_85 = arith.constant 0 : index
    %get3A_86 = vector.load %arg7[%get3A_84, %get3A_85] : memref<512x64xbf16, #tpu.memory_space<vmem>>, vector<512x64xbf16>
    %dot_general3A_87 = arith.constant dense<0.000000e+00> : vector<2048x64xf32>
    %dot_general3A_88 = tpu.matmul %convert_element_type3A_73, %get3A_86, %dot_general3A_87 {dimension_numbers = #tpu.dot_dimension_numbers<[1], [0], [0], [1], [0, 0, 1, 1], [], []>, transpose_lhs_hint = false} : vector<2048x512xbf16>, vector<512x64xbf16>, vector<2048x64xf32> -> vector<2048x64xf32>
    %add3A_89 = arith.addf %dot_general3A_78, %dot_general3A_83 : vector<2048x64xf32>
    %add3A_90 = arith.addf %add3A_89, %dot_general3A_88 : vector<2048x64xf32>
    %sub3A_91 = arith.subf %get3A_3, %add3A_68 : vector<2048x64xf32>
    %transpose3A = tpu.transpose %sub3A_91, [1, 0] : vector<2048x64xf32> -> vector<64x2048xf32>
    %mul3A_92 = arith.mulf %transpose3A, %transpose3A : vector<64x2048xf32>
    %reshape3A = vector.shape_cast %mul3A_92 : vector<64x2048xf32> to vector<8x8x2048xf32>
    %slice3A = vector.extract_strided_slice %reshape3A {offsets = [0, 0, 0], sizes = [8, 4, 2048], strides = [1, 1, 1]} : vector<8x8x2048xf32> to vector<8x4x2048xf32>
    %slice3A_93 = vector.extract_strided_slice %reshape3A {offsets = [0, 4, 0], sizes = [8, 4, 2048], strides = [1, 1, 1]} : vector<8x8x2048xf32> to vector<8x4x2048xf32>
    %add3A_94 = arith.addf %slice3A, %slice3A_93 : vector<8x4x2048xf32>
    %slice3A_95 = vector.extract_strided_slice %add3A_94 {offsets = [0, 0, 0], sizes = [8, 2, 2048], strides = [1, 1, 1]} : vector<8x4x2048xf32> to vector<8x2x2048xf32>
    %slice3A_96 = vector.extract_strided_slice %add3A_94 {offsets = [0, 2, 0], sizes = [8, 2, 2048], strides = [1, 1, 1]} : vector<8x4x2048xf32> to vector<8x2x2048xf32>
    %add3A_97 = arith.addf %slice3A_95, %slice3A_96 : vector<8x2x2048xf32>
    %slice3A_98 = vector.extract_strided_slice %add3A_97 {offsets = [0, 0, 0], sizes = [8, 1, 2048], strides = [1, 1, 1]} : vector<8x2x2048xf32> to vector<8x1x2048xf32>
    %slice3A_99 = vector.extract_strided_slice %add3A_97 {offsets = [0, 1, 0], sizes = [8, 1, 2048], strides = [1, 1, 1]} : vector<8x2x2048xf32> to vector<8x1x2048xf32>
    %add3A_100 = arith.addf %slice3A_98, %slice3A_99 : vector<8x1x2048xf32>
    %slice3A_101 = vector.extract_strided_slice %add3A_100 {offsets = [0, 0, 0], sizes = [1, 1, 2048], strides = [1, 1, 1]} : vector<8x1x2048xf32> to vector<1x1x2048xf32>
    %squeeze3A = vector.shape_cast %slice3A_101 : vector<1x1x2048xf32> to vector<1x2048xf32>
    %slice3A_102 = vector.extract_strided_slice %add3A_100 {offsets = [1, 0, 0], sizes = [1, 1, 2048], strides = [1, 1, 1]} : vector<8x1x2048xf32> to vector<1x1x2048xf32>
    %squeeze3A_103 = vector.shape_cast %slice3A_102 : vector<1x1x2048xf32> to vector<1x2048xf32>
    %add3A_104 = arith.addf %squeeze3A, %squeeze3A_103 : vector<1x2048xf32>
    %slice3A_105 = vector.extract_strided_slice %add3A_100 {offsets = [2, 0, 0], sizes = [1, 1, 2048], strides = [1, 1, 1]} : vector<8x1x2048xf32> to vector<1x1x2048xf32>
    %squeeze3A_106 = vector.shape_cast %slice3A_105 : vector<1x1x2048xf32> to vector<1x2048xf32>
    %add3A_107 = arith.addf %add3A_104, %squeeze3A_106 : vector<1x2048xf32>
    %slice3A_108 = vector.extract_strided_slice %add3A_100 {offsets = [3, 0, 0], sizes = [1, 1, 2048], strides = [1, 1, 1]} : vector<8x1x2048xf32> to vector<1x1x2048xf32>
    %squeeze3A_109 = vector.shape_cast %slice3A_108 : vector<1x1x2048xf32> to vector<1x2048xf32>
    %add3A_110 = arith.addf %add3A_107, %squeeze3A_109 : vector<1x2048xf32>
    %slice3A_111 = vector.extract_strided_slice %add3A_100 {offsets = [4, 0, 0], sizes = [1, 1, 2048], strides = [1, 1, 1]} : vector<8x1x2048xf32> to vector<1x1x2048xf32>
    %squeeze3A_112 = vector.shape_cast %slice3A_111 : vector<1x1x2048xf32> to vector<1x2048xf32>
    %add3A_113 = arith.addf %add3A_110, %squeeze3A_112 : vector<1x2048xf32>
    %slice3A_114 = vector.extract_strided_slice %add3A_100 {offsets = [5, 0, 0], sizes = [1, 1, 2048], strides = [1, 1, 1]} : vector<8x1x2048xf32> to vector<1x1x2048xf32>
    %squeeze3A_115 = vector.shape_cast %slice3A_114 : vector<1x1x2048xf32> to vector<1x2048xf32>
    %add3A_116 = arith.addf %add3A_113, %squeeze3A_115 : vector<1x2048xf32>
    %slice3A_117 = vector.extract_strided_slice %add3A_100 {offsets = [6, 0, 0], sizes = [1, 1, 2048], strides = [1, 1, 1]} : vector<8x1x2048xf32> to vector<1x1x2048xf32>
    %squeeze3A_118 = vector.shape_cast %slice3A_117 : vector<1x1x2048xf32> to vector<1x2048xf32>
    %add3A_119 = arith.addf %add3A_116, %squeeze3A_118 : vector<1x2048xf32>
    %slice3A_120 = vector.extract_strided_slice %add3A_100 {offsets = [7, 0, 0], sizes = [1, 1, 2048], strides = [1, 1, 1]} : vector<8x1x2048xf32> to vector<1x1x2048xf32>
    %squeeze3A_121 = vector.shape_cast %slice3A_120 : vector<1x1x2048xf32> to vector<1x2048xf32>
    %add3A_122 = arith.addf %add3A_119, %squeeze3A_121 : vector<1x2048xf32>
    %rsqrt3A = math.rsqrt %add3A_122 : vector<1x2048xf32>
    %mul3A_123 = arith.mulf %add3A_122, %rsqrt3A : vector<1x2048xf32>
    %sub3A_124 = arith.subf %get3A_3, %add3A_90 : vector<2048x64xf32>
    %transpose3A_125 = tpu.transpose %sub3A_124, [1, 0] : vector<2048x64xf32> -> vector<64x2048xf32>
    %mul3A_126 = arith.mulf %transpose3A_125, %transpose3A_125 : vector<64x2048xf32>
    %reshape3A_127 = vector.shape_cast %mul3A_126 : vector<64x2048xf32> to vector<8x8x2048xf32>
    %slice3A_128 = vector.extract_strided_slice %reshape3A_127 {offsets = [0, 0, 0], sizes = [8, 4, 2048], strides = [1, 1, 1]} : vector<8x8x2048xf32> to vector<8x4x2048xf32>
    %slice3A_129 = vector.extract_strided_slice %reshape3A_127 {offsets = [0, 4, 0], sizes = [8, 4, 2048], strides = [1, 1, 1]} : vector<8x8x2048xf32> to vector<8x4x2048xf32>
    %add3A_130 = arith.addf %slice3A_128, %slice3A_129 : vector<8x4x2048xf32>
    %slice3A_131 = vector.extract_strided_slice %add3A_130 {offsets = [0, 0, 0], sizes = [8, 2, 2048], strides = [1, 1, 1]} : vector<8x4x2048xf32> to vector<8x2x2048xf32>
    %slice3A_132 = vector.extract_strided_slice %add3A_130 {offsets = [0, 2, 0], sizes = [8, 2, 2048], strides = [1, 1, 1]} : vector<8x4x2048xf32> to vector<8x2x2048xf32>
    %add3A_133 = arith.addf %slice3A_131, %slice3A_132 : vector<8x2x2048xf32>
    %slice3A_134 = vector.extract_strided_slice %add3A_133 {offsets = [0, 0, 0], sizes = [8, 1, 2048], strides = [1, 1, 1]} : vector<8x2x2048xf32> to vector<8x1x2048xf32>
    %slice3A_135 = vector.extract_strided_slice %add3A_133 {offsets = [0, 1, 0], sizes = [8, 1, 2048], strides = [1, 1, 1]} : vector<8x2x2048xf32> to vector<8x1x2048xf32>
    %add3A_136 = arith.addf %slice3A_134, %slice3A_135 : vector<8x1x2048xf32>
    %slice3A_137 = vector.extract_strided_slice %add3A_136 {offsets = [0, 0, 0], sizes = [1, 1, 2048], strides = [1, 1, 1]} : vector<8x1x2048xf32> to vector<1x1x2048xf32>
    %squeeze3A_138 = vector.shape_cast %slice3A_137 : vector<1x1x2048xf32> to vector<1x2048xf32>
    %slice3A_139 = vector.extract_strided_slice %add3A_136 {offsets = [1, 0, 0], sizes = [1, 1, 2048], strides = [1, 1, 1]} : vector<8x1x2048xf32> to vector<1x1x2048xf32>
    %squeeze3A_140 = vector.shape_cast %slice3A_139 : vector<1x1x2048xf32> to vector<1x2048xf32>
    %add3A_141 = arith.addf %squeeze3A_138, %squeeze3A_140 : vector<1x2048xf32>
    %slice3A_142 = vector.extract_strided_slice %add3A_136 {offsets = [2, 0, 0], sizes = [1, 1, 2048], strides = [1, 1, 1]} : vector<8x1x2048xf32> to vector<1x1x2048xf32>
    %squeeze3A_143 = vector.shape_cast %slice3A_142 : vector<1x1x2048xf32> to vector<1x2048xf32>
    %add3A_144 = arith.addf %add3A_141, %squeeze3A_143 : vector<1x2048xf32>
    %slice3A_145 = vector.extract_strided_slice %add3A_136 {offsets = [3, 0, 0], sizes = [1, 1, 2048], strides = [1, 1, 1]} : vector<8x1x2048xf32> to vector<1x1x2048xf32>
    %squeeze3A_146 = vector.shape_cast %slice3A_145 : vector<1x1x2048xf32> to vector<1x2048xf32>
    %add3A_147 = arith.addf %add3A_144, %squeeze3A_146 : vector<1x2048xf32>
    %slice3A_148 = vector.extract_strided_slice %add3A_136 {offsets = [4, 0, 0], sizes = [1, 1, 2048], strides = [1, 1, 1]} : vector<8x1x2048xf32> to vector<1x1x2048xf32>
    %squeeze3A_149 = vector.shape_cast %slice3A_148 : vector<1x1x2048xf32> to vector<1x2048xf32>
    %add3A_150 = arith.addf %add3A_147, %squeeze3A_149 : vector<1x2048xf32>
    %slice3A_151 = vector.extract_strided_slice %add3A_136 {offsets = [5, 0, 0], sizes = [1, 1, 2048], strides = [1, 1, 1]} : vector<8x1x2048xf32> to vector<1x1x2048xf32>
    %squeeze3A_152 = vector.shape_cast %slice3A_151 : vector<1x1x2048xf32> to vector<1x2048xf32>
    %add3A_153 = arith.addf %add3A_150, %squeeze3A_152 : vector<1x2048xf32>
    %slice3A_154 = vector.extract_strided_slice %add3A_136 {offsets = [6, 0, 0], sizes = [1, 1, 2048], strides = [1, 1, 1]} : vector<8x1x2048xf32> to vector<1x1x2048xf32>
    %squeeze3A_155 = vector.shape_cast %slice3A_154 : vector<1x1x2048xf32> to vector<1x2048xf32>
    %add3A_156 = arith.addf %add3A_153, %squeeze3A_155 : vector<1x2048xf32>
    %slice3A_157 = vector.extract_strided_slice %add3A_136 {offsets = [7, 0, 0], sizes = [1, 1, 2048], strides = [1, 1, 1]} : vector<8x1x2048xf32> to vector<1x1x2048xf32>
    %squeeze3A_158 = vector.shape_cast %slice3A_157 : vector<1x1x2048xf32> to vector<1x2048xf32>
    %add3A_159 = arith.addf %add3A_156, %squeeze3A_158 : vector<1x2048xf32>
    %rsqrt3A_160 = math.rsqrt %add3A_159 : vector<1x2048xf32>
    %mul3A_161 = arith.mulf %add3A_159, %rsqrt3A_160 : vector<1x2048xf32>
    %transpose3A_162 = tpu.transpose %broadcast_in_dim3A_32, [1, 0] : vector<2048x1xi32> -> vector<1x2048xi32>
    %transpose3A_163 = tpu.transpose %broadcast_in_dim3A_48, [1, 0] : vector<2048x1xi32> -> vector<1x2048xi32>
    %lt3A = arith.cmpf olt, %mul3A_161, %mul3A_123 : vector<1x2048xf32>
    %select_n3A_164 = arith.select %lt3A, %transpose3A_163, %transpose3A_162 : vector<1x2048xi1>, vector<1x2048xi32>
    %eq3A_165 = arith.cmpf oeq, %mul3A_161, %mul3A_123 : vector<1x2048xf32>
    %min3A = arith.minsi %transpose3A_162, %transpose3A_163 : vector<1x2048xi32>
    %select_n3A_166 = arith.select %eq3A_165, %min3A, %select_n3A_164 : vector<1x2048xi1>, vector<1x2048xi32>
    %swap3A = arith.constant 0 : index
    %swap3A_167 = arith.constant 0 : index
    %swap3A_168 = arith.constant 0 : index
    %swap3A_169 = vector.load %arg4[%swap3A, %swap3A_167, %swap3A_168] : memref<1x1x2048xi32, #tpu.memory_space<vmem>>, vector<1x1x2048xi32>
    %swap3A_170 = vector.shape_cast %swap3A_169 : vector<1x1x2048xi32> to vector<1x2048xi32>
    %swap3A_171 = vector.shape_cast %select_n3A_166 : vector<1x2048xi32> to vector<1x1x2048xi32>
    tpu.vector_store %arg4[%swap3A, %swap3A_167, %swap3A_168], %swap3A_171 {strides = array<i32>} : memref<1x1x2048xi32, #tpu.memory_space<vmem>>, vector<1x1x2048xi32>,
    return
  }
  func.func @transform_0(%arg0: i32) -> (i32, i32) {
    %c0_i32 = arith.constant 0 : i32
    %c0_i32_0 = arith.constant 0 : i32
    return %arg0, %c0_i32 : i32, i32
  }
  func.func @transform_1(%arg0: i32) -> (i32, i32) {
    %c0_i32 = arith.constant 0 : i32
    %c0_i32_0 = arith.constant 0 : i32
    %c0_i32_1 = arith.constant 0 : i32
    return %c0_i32, %c0_i32_0 : i32, i32
  }
  func.func @transform_2(%arg0: i32) -> (i32, i32) {
    %c0_i32 = arith.constant 0 : i32
    %c0_i32_0 = arith.constant 0 : i32
    %c0_i32_1 = arith.constant 0 : i32
    return %c0_i32, %c0_i32_0 : i32, i32
  }
  func.func @transform_3(%arg0: i32) -> (i32, i32, i32) {
    %c0_i32 = arith.constant 0 : i32
    %c0_i32_0 = arith.constant 0 : i32
    %c0_i32_1 = arith.constant 0 : i32
    return %arg0, %c0_i32, %c0_i32_0 : i32, i32, i32
  }
}

</mosaic_0001>

<sc_bundles>
// kernel: kernel.5.cloned.1.call-start
scs
__scs_entry_jumppad:
0x0: {  	(pc) =	sbr.rel $0x88, $3  }
0x1: {  	(tag) =	ssettag $0x0;
	lr =	simm.s32 $0x1  }
0x2: {  	[smem:$0x3F9F] =	sst lr;
	_ =	strace $0xD0000000  }
0x3: {  	_ = 	snop  }
0x4: {  	_ = 	snop  }
0x5: {  	_ = 	snop  }
0x6: {  	_ = 	snop  }
0x7: {  	_ = 	snop  }
__scs_overlays_trampoline_lowered:
0x8: {  	[smem:$0x3FAE] =	sst s0  }
0x9: {  	[smem:$0x3FAF] =	sst s1  }
0xa: {  	[smem:$0x3FB0] =	sst s2  }
0xb: {  	[smem:$0x3FB1] =	sst s3  }
0xc: {  	[smem:$0x3FB2] =	sst s4  }
0xd: {  	[smem:$0x3FB3] =	sst s5  }
0xe: {  	[smem:$0x3FB4] =	sst s6  }
0xf: {  	[smem:$0x3FB5] =	sst s7  }
0x10: {  	[smem:$0x3FB6] =	sst s8  }
0x11: {  	[smem:$0x3FB7] =	sst s9;
	s0 =	simm.s32 @!p0 $0x0  }
0x12: {  	s1 =	sld [smem:$0x3F9D];
	s0 =	simm.s32 @p0 $0x1  }
0x13: {  	[smem:$0x3FB8] =	sst s0;
	s0 =	simm.s32 @!p1 $0x0  }
0x14: {  	s2 =	sld [smem:$0x3F9C];
	s0 =	simm.s32 @p1 $0x1  }
0x15: {  	[smem:$0x3FB9] =	sst s0;
	s0 =	simm.s32 @!p2 $0x0  }
0x16: {  	s3 =	sld [smem:$0x3FDB];
	s0 =	simm.s32 @p2 $0x1  }
0x17: {  	s4 =	simm.s32 $0x1BF5;
	[smem:$0x3FBB] =	sst s0  }
0x18: {  	s0 =	sld [smem:$0x3F9E];
	_ =	swait.ge [sflag:s4], $0x0  }
0x19: {  	s7 =	sld [smem:$0x3F9F]  }
0x1a: {  	s8 =	sadd.s32 $0xFFFFE003, lr  }
0x1b: {  	s9 =	sadd.s32 $0xFFFFFEF7, lr;
	s5 =	simm.s32 $0xFFFFFFFF;
	p2 =	slt.u32 s8, $0xFFFFF086  }
0x1c: {  	p1 =	slt.u32 s9, $0xF7A;
	s5 =	simm.s32 @!p2 $0x0  }
0x1d: {  	s5 =	simm.s32 @p1 $0x1;
	p0 =	seq.s32 s7, s2  }
0x1e: {  	s7 =	smul.u32 @!p0 $0xF7A, s2;
	p2 =	seq.s32 @!p0 s5, $0x0  }
0x1f: {  	s9 =	smul.u32 $0xF7A, s1;
	s8 =	simm.s32 @!p0 $0x1BF5;
	p2 =	por !p2, p0  }
0x20: {  	[sflag:s8] =	ssyncset.s32 @!p0 $0xFFFFF086;
	s6 =	sadd.s32 @!p0 s3, s7;
	s7 =	simm.s32 @!p0 $0x108  }
0x21: {  	s3 =	sadd.s32 s3, s9;
	s6 =	sadd.s32 @!p0 $0x88, s6;
	s7 =	simm.s32 @p2 $0x1082  }
0x22: {  	[simem:s7], [sflag:s8] =	dma.local @!p0 [hbm:s6], $0xF7A  }
0x23: {  	s9 =	sor.u32 $0xD0000000, s2;
	s6 =	simm.s32 $0x108;
	_ =	swait.ge @!p0 [sflag:s8], $0x0  }
0x24: {  	s3 =	sadd.s32 $0x88, s3;
	s6 =	simm.s32 @!p1 $0x1082;
	[sflag:s4] =	ssyncset.s32 $0xFFFFF086  }
0x25: {  	[simem:s6], [sflag:s4] =	dma.local [hbm:s3], $0xF7A  }
0x26: {  	[smem:$0x3F9F] =	sst s1;
	(tag) =	ssettag s2;
	_ =	strace s9  }
0x27: {  	s1 =	sld [smem:$0x3FAF]  }
0x28: {  	s2 =	sld [smem:$0x3FB0]  }
0x29: {  	s4 =	sld [smem:$0x3FB2]  }
0x2a: {  	p0 =	seq.s32 s5, $0x0;
	s5 =	sld [smem:$0x3FB3]  }
0x2b: {  	s6 =	sld [smem:$0x3FB4]  }
0x2c: {  	s7 =	sld [smem:$0x3FB5]  }
0x2d: {  	s3 =	simm.s32 $0x108;
	s8 =	sld [smem:$0x3FB6]  }
0x2e: {  	s3 =	simm.s32 @!p0 $0x1082;
	s9 =	sld [smem:$0x3FB7]  }
0x2f: {  	lr =	sadd.s32 s0, s3;
	s0 =	sld [smem:$0x3FAE]  }
0x30: {  	s3 =	sld [smem:$0x3FB1]  }
0x31: {  	[smem:$0x3FBA] =	sst s10  }
0x32: {  	s10 =	sld [smem:$0x3FB8];
	_ =	sdelay $0x3  }
0x33: {  	p0 =	seq.s32 s10, $0x1;
	s10 =	sld [smem:$0x3FBA];
	_ =	sdelay $0x3  }
0x34: {  	[smem:$0x3FBA] =	sst s10  }
0x35: {  	s10 =	sld [smem:$0x3FB9];
	_ =	sdelay $0x3  }
0x36: {  	p1 =	seq.s32 s10, $0x1;
	s10 =	sld [smem:$0x3FBA];
	_ =	sdelay $0x3  }
0x37: {  	[smem:$0x3FBA] =	sst s10  }
0x38: {  	s10 =	sld [smem:$0x3FBB]  }
0x39: {  	_ = 	snop;
	(pc) =	sbr.ind lr, $3  }
0x3a: {  	_ = 	snop  }
0x3b: {  	_ = 	snop  }
0x3c: {  	p2 =	seq.s32 s10, $0x1;
	s10 =	sld [smem:$0x3FBA]  }
0x3d: {  	_ =	shalt  }
0x3e: {  	_ =	shalt  }
0x3f: {  	_ =	shalt  }
0x40: {  	_ =	shalt  }
0x41: {  	_ =	shalt  }
0x42: {  	_ =	shalt  }
0x43: {  	_ =	shalt  }
0x44: {  	_ =	shalt  }
0x45: {  	_ =	shalt  }
0x46: {  	_ =	shalt  }
0x47: {  	_ =	shalt  }
0x48: {  	_ =	shalt  }
0x49: {  	_ =	shalt  }
0x4a: {  	_ =	shalt  }
0x4b: {  	_ =	shalt  }
0x4c: {  	_ =	shalt  }
0x4d: {  	_ =	shalt  }
0x4e: {  	_ =	shalt  }
0x4f: {  	_ =	shalt  }
0x50: {  	_ =	shalt  }
0x51: {  	_ =	shalt  }
0x52: {  	_ =	shalt  }
0x53: {  	_ =	shalt  }
0x54: {  	_ =	shalt  }
0x55: {  	_ =	shalt  }
0x56: {  	_ =	shalt  }
0x57: {  	_ =	shalt  }
0x58: {  	_ =	shalt  }
0x59: {  	_ =	shalt  }
0x5a: {  	_ =	shalt  }
0x5b: {  	_ =	shalt  }
0x5c: {  	_ =	shalt  }
0x5d: {  	_ =	shalt  }
0x5e: {  	_ =	shalt  }
0x5f: {  	_ =	shalt  }
0x60: {  	_ =	shalt  }
0x61: {  	_ =	shalt  }
0x62: {  	_ =	shalt  }
0x63: {  	_ =	shalt  }
0x64: {  	_ =	shalt  }
0x65: {  	_ =	shalt  }
0x66: {  	_ =	shalt  }
0x67: {  	_ =	shalt  }
0x68: {  	_ =	shalt  }
0x69: {  	_ =	shalt  }
0x6a: {  	_ =	shalt  }
0x6b: {  	_ =	shalt  }
0x6c: {  	_ =	shalt  }
0x6d: {  	_ =	shalt  }
0x6e: {  	_ =	shalt  }
0x6f: {  	_ =	shalt  }
0x70: {  	_ =	shalt  }
0x71: {  	_ =	shalt  }
0x72: {  	_ =	shalt  }
0x73: {  	_ =	shalt  }
0x74: {  	_ =	shalt  }
0x75: {  	_ =	shalt  }
0x76: {  	_ =	shalt  }
0x77: {  	_ =	shalt  }
0x78: {  	_ =	shalt  }
0x79: {  	_ =	shalt  }
0x7a: {  	_ =	shalt  }
0x7b: {  	_ =	shalt  }
0x7c: {  	_ =	shalt  }
0x7d: {  	_ =	shalt  }
0x7e: {  	_ =	shalt  }
0x7f: {  	_ =	shalt  }
0x80: {  	_ =	shalt  }
0x81: {  	_ =	shalt  }
0x82: {  	_ =	shalt  }
0x83: {  	_ =	shalt  }
0x84: {  	_ =	shalt  }
0x85: {  	_ =	shalt  }
0x86: {  	_ =	shalt  }
0x87: {  	_ =	shalt  }
.Lfunc_end0:
.L_simem_size_0:
called_computation_lowered:
.L_overlay_start_0:
0x88: {  	s0 =	sld [smem:$0x3FD9]  }
0x89: {  	s1 =	sld [smem:$0x3FFE];
	_ =	sdelay $0x3  }
0x8a: {  	s0 =	sadd.s32 s1, s0  }
0x8b: {  	[smem:$0x3FC6] =	sst s0  }
0x8c: {  	_ = 	snop  }
0x8d: {  	s0 =	sld [smem:$0x3FD0];
	(tm) =	ssettm $0x1  }
0x8e: {  	s16 =	sld [smem:$0x3FFB];
	_ =	sdelay $0x3  }
0x8f: {  	_ =	strace s16  }
0x90: {  	s1 =	sld [smem:$0x3FFC];
	_ =	sdelay $0x3  }
0x91: {  	_ =	strace s1  }
0x92: {  	s1 =	sld [smem:$0x3FFD];
	_ =	sdelay $0x3  }
0x93: {  	_ =	strace s1  }
0x94: {  	_ =	strace $0x8FFFFFFF  }
0x95: {  	s17 =	sld [smem:$0x3FDB];
	_ =	sdelay $0x1  }
0x96: {  	s2 =	simm.s32 $_scs_section_size  }
0x97: {  	s3 =	simm.s32 $_size__tile_overlayer_lowered;
	s4 =	simm.s32 $_tile_overlayer_lowered  }
0x98: {  	s20 =	simm.s32 $0x1BFF;
	s19 =	sshll.u32 s4, $0x1;
	s1 =	sadd.s32 s2, s17  }
0x99: {  	s5 =	simm.s32 $0x0;
	s18 =	sshll.u32 s3, $0x1;
	s3 =	sadd.s32 s19, s1  }
0x9a: {  	[timem:s5], [sflag:s20] =	dma.local [hbm:s3], s18  }
0x9b: {  	_ =	swait.ge [sflag:s20], s18  }
0x9c: {  	s2 =	ssub.s32 $0x0, s18;
	[sflag:s20] =	ssyncset.done $0x0  }
0x9d: {  	[sflag:s20] =	ssyncadd.s32 s2;
	_ =	sdelay $0x1  }
0x9e: {  	s21 =	simm.s32 $0x1B8B  }
0x9f: {  	_ =	swait.ge [sflag:s21], $0x1  }
0xa0: {  	[sflag:s21] =	ssyncset.done $0x0  }
0xa1: {  	s23 =	simm.s32 $0x1B8E;
	s22 =	sld [smem:$0x3FFE];
	[sflag:s21] =	ssyncadd.s32 $0xFFFFFFFF  }
0xa2: {  	s24 =	simm.s32 $execute0_lowered;
	[smem:$0x3FD2] =	sst s23  }
0xa3: {  	s3 =	sshll.u32 s24, $0x1;
	_ =	strace $0x80000046;
	[dreg:$0x1] =	wrdreg $0xFFFFFFFF  }
0xa4: {  	s25 =	simm.s32 $_size_execute0_lowered;
	s1 =	sadd.s32 s1, s3;
	[dreg:$0x0] =	wrdreg $0x0  }
0xa5: {  	s3 =	sshll.u32 s25, $0x1;
	[dreg:$0x2] =	wrdreg s1  }
0xa6: {  	[dreg:$0x3] =	wrdreg s3  }
0xa7: {  	[dreg:$0x4] =	wrdreg $0xC0  }
0xa8: {  	_ =	task [dreg:s5], $0x5FFFF  }
0xa9: {  	[dreg:$0x1] =	wrdreg $0xFFFFFFFF  }
0xaa: {  	[dreg:$0x0] =	wrdreg $0x60  }
0xab: {  	[dreg:$0x2] =	wrdreg s22  }
0xac: {  	[dreg:$0x3] =	wrdreg s0  }
0xad: {  	[dreg:$0x4] =	wrdreg $0x9  }
0xae: {  	_ =	task.clear_ibuf [dreg:s5], $0x5FFFF;
	_ =	strace $0x90000046  }
0xaf: {  	s26 =	simm.s32 $0x9;
	_ =	strace $0x80000048  }
0xb0: {  	_ =	swait.ge [sflag:s26], $0x1  }
0xb1: {  	[sflag:s26] =	ssyncadd.s32 $0xFFFFFFFF  }
0xb2: {  	_ =	strace $0x90000048  }
0xb3: {  	_ =	sfence  }
0xb4: {  	s28 =	sld [smem:$0x0];
	_ =	sdelay $0x1  }
0xb5: {  	s29 =	srdreg.scid  }
0xb6: {  	s30 =	sshll.u32 s29, $0xD;
	s31 =	sshrl.u32 s29, $0x2  }
0xb7: {  	s2 =	sand.u32 $0x4000, s30;
	s1 =	sand.u32 $0x1, s29;
	s0 =	sadd.s32 s31, s28  }
0xb8: {  	s1 =	sor.u32 s2, s1;
	s0 =	sshll.u32 s0, $0x11  }
0xb9: {  	s0 =	sor.u32 s0, s1  }
0xba: {  	s0 =	sadd.s32 $0x8F2B, s0  }
0xbb: {  	[sflag:s0] =	ssyncadd.remote.s32 $0x1  }
0xbc: {  	_ =	sfence.sel $0xFFFF  }
0xbd: {  	[dreg:$0x0] =	wrdreg $0xFFFFFFFF;
	(pc) =	sbr.abs _section_cstart, $3  }
0xbe: {  	[dreg:$0x1] =	wrdreg $0xFFFFFFFF  }
0xbf: {  	_ =	task.clear_ibuf [dreg:s5], $0x2FFFF;
	_ =	strace $0x9FFFFFFF  }
0xc0: {  	(tm) =	ssettm $0x7FFFFFFF  }
0xc1: {  	_ =	shalt  }
tec
execute0_lowered:
.L_overlay_start_1:
0x0: {  	(tag) =	ssettag $0x1  }
0x1: {  	s0 =	rddreg [dreg:$0x0]  }
0x2: {  	s1 =	rddreg [dreg:$0x1];
	s2 =	stileid.u32  }
0x3: {  	s3 =	rddreg [dreg:$0x2];
	s4 =	simm.s32 $0x0;
	s5 =	sshll.u32 s2, $0x5  }
0x4: {  	[smem:$0x7FF] =	sst s4;
	s5 =	sadd.s32 s5, s0  }
0x5: {  	s30 =	simm.s32 $0x2;
	_ =	strace $0x80000047;
	s5 =	sadd.s32 $0x1600, s5  }
0x6: {  	[tilespmem:s4], [sflag:$0x2] =	stream.linear.gather [hbm4b:s5+s4], $0x100, $0x38;
	[tilespmem:$0x4100] =	vst v63  }
0x7: {  	_ =	swait.ge [sflag:s30], $0x100  }
0x8: {  	s6 =	simm.s32 $0x100;
	[sflag:s30] =	ssyncset.done $0x0  }
0x9: {  	s31 =	simm.s32 $0x1;
	s0 =	sadd.s32 $0x600, s0;
	[sflag:s30] =	ssyncadd.s32 $0xFFFFFF00  }
0xa: {  	[tilespmem:s6], [sflag:$0x1] =	stream.indirect.gather [hbm4b:s0+s6], $0x40, s4, s6, $0xb8;
	[tilespmem:$0x4100] =	vst v63  }
0xb: {  	_ =	swait.ge [sflag:s31], $0x4000  }
0xc: {  	s7 =	sshll.u32 s2, $0xB;
	[sflag:s31] =	ssyncset.done $0x0  }
0xd: {  	s1 =	sadd.s32 s1, s7;
	[sflag:s31] =	ssyncadd.s32 $0xFFFFC000  }
0xe: {  	[hbm4b:s1+s4] =	stream.linear.scatter [tilespmem:s6], [sflag:$0x2], $0x4000, $0x38;
	[tilespmem:$0x4100] =	vst v63  }
0xf: {  	_ =	swait.ge [sflag:s30], $0x4000  }
0x10: {  	[sflag:s30] =	ssyncset.done $0x0  }
0x11: {  	[sflag:s30] =	ssyncadd.s32 $0xFFFFC000  }
0x12: {  	_ =	sfence.sel $0x180000  }
0x13: {  	[bflag:$0x0] =	sbarrier.arrive $0xFFFF  }
0x14: {  	p0 =	sne.s32 s2, $0x0;
	_ =	strace $0x90000047  }
0x15: {  	s0 =	sadd.s32 @!p0 $0x100000, s3;
	[bflag:$0x2] =	sbarrier.arrive $0xFFFF  }
0x16: {  	[sflag:s0] =	ssyncadd.tile.s32 @!p0 $0x1;
	_ =	shalt  }
.Lfunc_end2:
_tile_overlayer_lowered:
.L_overlay_start_2:
0x17: {  	(tag) =	ssettag $0x2  }
0x18: {  	s0 =	rddreg [dreg:$0x0];
	s2 =	stileid.u32  }
0x19: {  	s1 =	rddreg [dreg:$0x1];
	p0 =	sne.s32 s2, $0x0  }
0x1a: {  	s3 =	rddreg [dreg:$0x2];
	[bflag:$0x3] =	sbarrier.arrive $0xFFFF;
	s2 =	simm.s32 @!p0 $0x1C02  }
0x1b: {  	[timem:s3], [sflag:s2] =	dma.local @!p0 [hbm:s0], s1  }
0x1c: {  	s0 =	simm.s32 @!p0 $0x2  }
0x1d: {  	_ =	swait.ge @!p0 [sflag:s0], s1  }
0x1e: {  	s1 =	ssub.s32 @!p0 $0x0, s1;
	[sflag:s0] =	ssyncset.done @!p0 $0x0  }
0x1f: {  	[sflag:s0] =	ssyncadd.s32 @!p0 s1  }
0x20: {  	[bflag:$0x3] =	sbarrier.arrive $0xFFFF  }
0x21: {  	_ =	shalt  }

</sc_bundles>
